<compile_context>
chip_gen: v7x
topology: tpu7x:2x2x1
jax: 0.10.2.dev20260603
libtpu: 0.0.44.dev20260713+nightly
codegen_flags: <defaults>
</compile_context>

<pallas_src>
import dataclasses
import functools

import jax
import jax.numpy as jnp
from jax import lax
from jax.experimental import pallas as pl
from jax.experimental.pallas import tpu as pltpu
from jax.experimental.pallas import tpu_sc as plsc

N = 10000
E = 320000
D = 128
NG = 64
NP = 10240
TILES = 32
CH = 128
CPT = 81
EP = TILES * CPT * CH
NBUF = 3
GRP = CPT // NBUF
RPS = NP // 16
RPA = 624
NBLK = 16
BR = NP // NBLK

_HIGH = lax.Precision.HIGHEST


@functools.cache
def _sc_mesh():
    return plsc.VectorSubcoreMesh(core_axis_name="c", subcore_axis_name="s")



def _deg_body(idx2_hbm, out_hbm, hist_v, idx_v):
    c = lax.axis_index("c")
    s = lax.axis_index("s")
    base = (c * 16 + s) * CPT
    pltpu.sync_copy(idx2_hbm.at[pl.ds(base, CPT)], idx_v)

    @pl.loop(0, NP, step=16)
    def _(i):
        hist_v[pl.ds(i, 16)] = jnp.zeros((16,), jnp.float32)

    ones16 = jnp.ones((16,), jnp.float32)

    @pl.loop(0, CPT)
    def _(j):
        @pl.loop(0, CH, step=16)
        def _(k):
            idx16 = idx_v[j, 0, pl.ds(k, 16)]
            plsc.addupdate_scatter(hist_v, [idx16], ones16)

    pltpu.sync_copy(hist_v, out_hbm.at[c * 16 + s])


@jax.jit
def _sc_degrees(idx2):
    cp = pltpu.CompilerParams()
    if "needs_layout_passes" in pltpu.CompilerParams.__dataclass_fields__:
        cp = dataclasses.replace(cp, needs_layout_passes=False)
    return pl.kernel(
        _deg_body,
        out_type=jax.ShapeDtypeStruct((TILES, NP), jnp.float32),
        mesh=_sc_mesh(),
        compiler_params=cp,
        scratch_types=[
            pltpu.VMEM((NP,), jnp.float32),
            pltpu.VMEM((CPT, 2, CH), jnp.int32),
        ],
    )(idx2)


IRING = 6


def _agg_body(h_hbm, idx2_hbm, zeros_hbm, out_hbm,
              acc_sh, idxs, msgs, g0, g1, g2, s0, s1, s2,
              i0, i1, i2, i3, i4, i5):
    gsem = (g0, g1, g2)
    ssem = (s0, s1, s2)
    isem = (i0, i1, i2, i3, i4, i5)
    c = lax.axis_index("c")
    s = lax.axis_index("s")
    base = (c * 16 + s) * CPT

    def wait_i(k6):
        pltpu.make_async_copy(idx2_hbm.at[base], idxs.at[k6],
                              isem[k6]).wait()

    def wait_g(b3):
        pltpu.make_async_copy(h_hbm.at[idxs.at[0, 0]], msgs.at[b3],
                              gsem[b3]).wait()

    def wait_s(b3):
        pltpu.make_async_copy(msgs.at[b3], acc_sh.at[idxs.at[0, 1]],
                              ssem[b3]).wait()

    for k in range(IRING - 1):
        pltpu.async_copy(idx2_hbm.at[base + k], idxs.at[k], isem[k])
    pltpu.sync_copy(zeros_hbm.at[pl.ds(s * RPA, RPA)],
                    acc_sh.at[pl.ds(s * RPA, RPA)])

    @pl.when(s == 15)
    def _():
        pltpu.sync_copy(zeros_hbm.at[pl.ds(16 * RPA, N - 16 * RPA)],
                        acc_sh.at[pl.ds(16 * RPA, N - 16 * RPA)])

    for b in range(2):
        wait_i(b)
        pltpu.async_copy(h_hbm.at[idxs.at[b, 0]], msgs.at[b], gsem[b])
    plsc.subcore_barrier()

    def step(j, m3, m6, wait_prev, gather, prefetch):
        wait_g(m3)
        pltpu.async_copy(msgs.at[m3], acc_sh.at[idxs.at[m6, 1]],
                         ssem[m3], add=True)
        if wait_prev:
            wait_s((m3 + 2) % NBUF)
        if gather:
            nb = (m3 + 2) % NBUF
            ni = (m6 + 2) % IRING
            wait_i(ni)
            pltpu.async_copy(h_hbm.at[idxs.at[ni, 0]], msgs.at[nb],
                             gsem[nb])
        if prefetch:
            pi = (m6 + IRING - 1) % IRING
            pltpu.async_copy(idx2_hbm.at[base + j + IRING - 1],
                             idxs.at[pi], isem[pi])

    step(0, 0, 0, False, True, True)

    @pl.loop(1, 73, step=IRING)
    def _(t):
        for p in range(IRING):
            step(t + p, (1 + p) % NBUF, (1 + p) % IRING, True, True, True)

    for j in range(73, CPT):
        step(j, j % NBUF, j % IRING, True, j + 2 <= CPT - 1,
             j + IRING - 1 <= CPT - 1)
    wait_s((CPT - 1) % NBUF)

    plsc.subcore_barrier()
    pltpu.sync_copy(acc_sh.at[pl.ds(s * RPA, RPA)],
                    out_hbm.at[c, pl.ds(s * RPA, RPA)])

    @pl.when(s == 15)
    def _():
        pltpu.sync_copy(acc_sh.at[pl.ds(16 * RPA, N - 16 * RPA)],
                        out_hbm.at[c, pl.ds(16 * RPA, N - 16 * RPA)])


@jax.jit
def _sc_aggregate(h, idx2, zeros_nd):
    return pl.kernel(
        _agg_body,
        out_type=jax.ShapeDtypeStruct((2, NP, D), jnp.float32),
        mesh=_sc_mesh(),
        scratch_types=[
            pltpu.VMEM_SHARED((N, D), jnp.float32),
            pltpu.VMEM((IRING, 2, CH), jnp.int32),
            pltpu.VMEM((NBUF, CH, D), jnp.float32),
        ] + [pltpu.SemaphoreType.DMA] * 12,
    )(h, idx2, zeros_nd)



def _mm1_body(x_ref, w_ref, b_ref, o_ref):
    o_ref[...] = jnp.dot(x_ref[...], w_ref[...],
                         preferred_element_type=jnp.float32,
                         precision=_HIGH) + b_ref[...]


@jax.jit
def _tc_matmul1(x_pad, w1t, b1r):
    return pl.pallas_call(
        _mm1_body,
        grid=(NBLK,),
        in_specs=[
            pl.BlockSpec((BR, D), lambda i: (i, 0)),
            pl.BlockSpec((D, D), lambda i: (0, 0)),
            pl.BlockSpec((1, D), lambda i: (0, 0)),
        ],
        out_specs=pl.BlockSpec((BR, D), lambda i: (i, 0)),
        out_shape=jax.ShapeDtypeStruct((NP, D), jnp.float32),
        compiler_params=pltpu.CompilerParams(
            dimension_semantics=("parallel",)),
    )(x_pad, w1t, b1r)


def _scale1_body(m_ref, dg_ref, o_ref, dis_ref):
    i = pl.program_id(0)
    deg = jnp.sum(dg_ref[...], axis=0) + 1.0
    dis_row = lax.rsqrt(deg).reshape(BR, 1)
    rows = i * BR + lax.broadcasted_iota(jnp.int32, (BR, 1), 0)
    dis = jnp.where(rows < N, dis_row, 0.0)
    disf = jnp.broadcast_to(dis, (BR, D))
    o_ref[...] = disf * m_ref[...]
    dis_ref[...] = disf


@jax.jit
def _tc_scale1(m1, degp):
    return pl.pallas_call(
        _scale1_body,
        grid=(NBLK,),
        in_specs=[
            pl.BlockSpec((BR, D), lambda i: (i, 0)),
            pl.BlockSpec((TILES, BR), lambda i: (0, i)),
        ],
        out_specs=[
            pl.BlockSpec((BR, D), lambda i: (i, 0)),
            pl.BlockSpec((BR, D), lambda i: (i, 0)),
        ],
        out_shape=[
            jax.ShapeDtypeStruct((NP, D), jnp.float32),
            jax.ShapeDtypeStruct((NP, D), jnp.float32),
        ],
        compiler_params=pltpu.CompilerParams(
            dimension_semantics=("parallel",)),
    )(m1, degp)


def _mm2_body(r_ref, h1_ref, dis_ref, w_ref, b_ref, o_ref):
    dis = dis_ref[...]
    t = dis * (r_ref[0] + r_ref[1] + h1_ref[...])
    t = jnp.where(dis > 0.0, t, 0.0)
    t = jnp.maximum(t, 0.0)
    h = jnp.dot(t, w_ref[...],
                preferred_element_type=jnp.float32,
                precision=_HIGH) + b_ref[...]
    o_ref[...] = dis * h


@jax.jit
def _tc_layer2(raw1, h1p, disf, w2t, b2r):
    return pl.pallas_call(
        _mm2_body,
        grid=(NBLK,),
        in_specs=[
            pl.BlockSpec((2, BR, D), lambda i: (0, i, 0)),
            pl.BlockSpec((BR, D), lambda i: (i, 0)),
            pl.BlockSpec((BR, D), lambda i: (i, 0)),
            pl.BlockSpec((D, D), lambda i: (0, 0)),
            pl.BlockSpec((1, D), lambda i: (0, 0)),
        ],
        out_specs=pl.BlockSpec((BR, D), lambda i: (i, 0)),
        out_shape=jax.ShapeDtypeStruct((NP, D), jnp.float32),
        compiler_params=pltpu.CompilerParams(
            dimension_semantics=("parallel",)),
    )(raw1, h1p, disf, w2t, b2r)


def _pool_body(r_ref, h2_ref, dis_ref, b_ref, o_ref, acc, cnt):
    i = pl.program_id(0)

    @pl.when(i == 0)
    def _():
        acc[...] = jnp.zeros((NG, D), jnp.float32)
        cnt[...] = jnp.zeros((NG, D), jnp.float32)

    dis = dis_ref[...]
    h2 = dis * (r_ref[0] + r_ref[1] + h2_ref[...])
    h2 = jnp.where(dis > 0.0, h2, 0.0)
    onehot = (b_ref[...] == lax.broadcasted_iota(jnp.int32, (BR, NG), 1))
    onehot = onehot.astype(jnp.float32)
    dn = (((0,), (0,)), ((), ()))
    acc[...] += lax.dot_general(onehot, h2, dn,
                                preferred_element_type=jnp.float32,
                                precision=_HIGH)
    cnt[...] += lax.dot_general(onehot, jnp.ones((BR, D), jnp.float32), dn,
                                preferred_element_type=jnp.float32,
                                precision=_HIGH)

    @pl.when(i == NBLK - 1)
    def _():
        o_ref[...] = acc[...] / jnp.maximum(cnt[...], 1.0)


@jax.jit
def _tc_pool(raw2, h2p, disf, batch2d):
    return pl.pallas_call(
        _pool_body,
        grid=(NBLK,),
        in_specs=[
            pl.BlockSpec((2, BR, D), lambda i: (0, i, 0)),
            pl.BlockSpec((BR, D), lambda i: (i, 0)),
            pl.BlockSpec((BR, D), lambda i: (i, 0)),
            pl.BlockSpec((BR, 1), lambda i: (i, 0)),
        ],
        out_specs=pl.BlockSpec((NG, D), lambda i: (0, 0)),
        out_shape=jax.ShapeDtypeStruct((NG, D), jnp.float32),
        scratch_shapes=[
            pltpu.VMEM((NG, D), jnp.float32),
            pltpu.VMEM((NG, D), jnp.float32),
        ],
    )(raw2, h2p, disf, batch2d)



def kernel(x, edge_index, batch, W1, b1, W2, b2):
    row = edge_index[0]
    col = edge_index[1]
    padk = jnp.arange(EP - E, dtype=jnp.int32)
    colp = jnp.concatenate([col, N + padk % (NP - N)]).reshape(EP // CH, CH)
    rowp = jnp.concatenate([row, padk % N]).reshape(EP // CH, CH)
    idx2 = jnp.stack([colp, rowp], axis=1)
    x_pad = jnp.zeros((NP, D), jnp.float32).at[:N].set(x)
    batch2d = jnp.concatenate(
        [batch, jnp.full((NP - N,), NG, jnp.int32)]).reshape(NP, 1)
    zeros_nd = jnp.zeros((NP, D), jnp.float32)
    w1t = W1.T
    w2t = W2.T
    b1r = b1.reshape(1, D)
    b2r = b2.reshape(1, D)

    degp = _sc_degrees(idx2)
    m1 = _tc_matmul1(x_pad, w1t, b1r)
    h1p, disf = _tc_scale1(m1, degp)
    raw1 = _sc_aggregate(h1p, idx2, zeros_nd)
    h2p = _tc_layer2(raw1, h1p, disf, w2t, b2r)
    raw2 = _sc_aggregate(h2p, idx2, zeros_nd)
    return _tc_pool(raw2, h2p, disf, batch2d)

# --- scband reference (transcript-rebuilt; emitter-appended) ---
"""Pipeline reference for scband-gcnencoder-3693671874794 (READ-ONLY COPY).

The authoritative reference and input builder live on the scoring server;
editing this copy changes nothing except your own understanding.
"""

import jax, jax.numpy as jnp
import numpy as np

N = 10000
E = 320000
DIN = 128
DH = 128
DOUT = 128
NUM_GRAPHS = 64


def setup_inputs(seed: int = 0) -> dict:
    key = jax.random.key(seed)
    k1, k2, k3, k4, k5, k6, k7 = jax.random.split(key, 7)
    x = jax.random.normal(k1, (N, DIN), dtype=jnp.float32)
    edge_index = jax.random.randint(k2, (2, E), 0, N, dtype=jnp.int32)
    batch = jnp.sort(jax.random.randint(k3, (N,), 0, NUM_GRAPHS, dtype=jnp.int32))
    W1 = jax.random.normal(k4, (DH, DIN), dtype=jnp.float32) * (1.0 / np.sqrt(DIN))
    b1 = jax.random.normal(k5, (DH,), dtype=jnp.float32) * 0.01
    W2 = jax.random.normal(k6, (DOUT, DH), dtype=jnp.float32) * (1.0 / np.sqrt(DH))
    b2 = jax.random.normal(k7, (DOUT,), dtype=jnp.float32) * 0.01
    return {"x": x, "edge_index": edge_index, "batch": batch, "W1": W1, "b1": b1, "W2": W2, "b2": b2}


def gcn_conv(x, edge_index, W, b):
    n = x.shape[0]
    loops = jnp.arange(n, dtype=edge_index.dtype)
    row = jnp.concatenate([edge_index[0], loops])
    col = jnp.concatenate([edge_index[1], loops])
    deg = jax.ops.segment_sum(jnp.ones_like(row, dtype=x.dtype), col, num_segments=n)
    deg_inv_sqrt = jnp.where(deg > 0, deg ** -0.5, 0.0)
    norm = deg_inv_sqrt[row] * deg_inv_sqrt[col]
    h = x @ W.T + b
    out = jnp.zeros_like(h).at[row].add(norm[:, None] * h[col])
    return out


def reference(x, edge_index, batch, W1, b1, W2, b2):
    h = jax.nn.relu(gcn_conv(x, edge_index, W1, b1))
    h = gcn_conv(h, edge_index, W2, b2)
    sums = jax.ops.segment_sum(h, batch, num_segments=NUM_GRAPHS)
    counts = jax.ops.segment_sum(jnp.ones((h.shape[0],), dtype=h.dtype), batch, num_segments=NUM_GRAPHS)
    return sums / jnp.maximum(counts, 1.0)[:, None]

if __name__ == "__main__":
    import jax
    _d = setup_inputs()
    print(jax.jit(kernel)(*tuple(_d.values())))

</pallas_src>

<mosaic_0001>
#map = affine_map<(d0, d1) -> (0, 0, 0)>
#map1 = affine_map<(d0, d1) -> (0, 0)>
module attributes {stable_mosaic.version = 14 : i64} {
  func.func @_deg_body(%arg0: i32, %arg1: i32, %arg2: memref<2592x2x128xi32, #tpu.memory_space<hbm>>, %arg3: memref<32x10240xf32, #tpu.memory_space<hbm>>, %arg4: memref<10240xf32, #tpu.memory_space<vmem>>, %arg5: memref<81x2x128xi32, #tpu.memory_space<vmem>>) attributes {dimension_semantics = [#tpu.dimension_semantics<core_parallel>, #tpu.dimension_semantics<subcore_parallel>], iteration_bounds = array<i64: 2, 16>, scalar_prefetch = 0 : i64, scratch_operands = 2 : i64, tpu.core_type = #tpu.core_type<sc_vector_subcore>, window_params = [{transform_indices = #map}, {transform_indices = #map1}]} {
    %mul3A = arith.constant 16 : i32
    %mul3A_0 = arith.muli %arg0, %mul3A : i32
    %add3A = arith.addi %mul3A_0, %arg1 : i32
    %mul3A_1 = arith.constant 81 : i32
    %mul3A_2 = arith.muli %add3A, %mul3A_1 : i32
    "tpu.region"() ({
      %run_scoped3A = tpu.sem_alloc : memref<!tpu.dma_semaphore, #tpu.memory_space<semaphore_mem>>
      %dma_start3A = arith.constant 0 : i32
      %dma_start3A_16 = arith.constant 0 : i32
      %dma_start3A_17 = tpu.memref_slice %arg2[%mul3A_2, %dma_start3A, %dma_start3A_16] : memref<2592x2x128xi32, #tpu.memory_space<hbm>> -> memref<81x2x128xi32, #tpu.memory_space<hbm>>
      %dma_start3A_18 = arith.constant 0 : i32
      %dma_start3A_19 = arith.constant 0 : i32
      %dma_start3A_20 = tpu.memref_slice %arg2[%mul3A_2, %dma_start3A_18, %dma_start3A_19] : memref<2592x2x128xi32, #tpu.memory_space<hbm>> -> memref<81x2x128xi32, #tpu.memory_space<hbm>>
      tpu.enqueue_dma source(%dma_start3A_20 : memref<81x2x128xi32, #tpu.memory_space<hbm>>) target(%arg5 : memref<81x2x128xi32, #tpu.memory_space<vmem>>) target_semaphore(%run_scoped3A : memref<!tpu.dma_semaphore, #tpu.memory_space<semaphore_mem>>)
      %dma_wait3A = arith.constant 0 : i32
      %dma_wait3A_21 = arith.constant 0 : i32
      %dma_wait3A_22 = tpu.memref_slice %arg2[%mul3A_2, %dma_wait3A, %dma_wait3A_21] : memref<2592x2x128xi32, #tpu.memory_space<hbm>> -> memref<81x2x128xi32, #tpu.memory_space<hbm>>
      %dma_wait3A_23 = arith.constant 0 : i32
      %dma_wait3A_24 = arith.constant 0 : i32
      %dma_wait3A_25 = tpu.memref_slice %arg2[%mul3A_2, %dma_wait3A_23, %dma_wait3A_24] : memref<2592x2x128xi32, #tpu.memory_space<hbm>> -> memref<81x2x128xi32, #tpu.memory_space<hbm>>
      tpu.wait_dma2 semaphore(%run_scoped3A : memref<!tpu.dma_semaphore, #tpu.memory_space<semaphore_mem>>) src(%dma_wait3A_25 : memref<81x2x128xi32, #tpu.memory_space<hbm>>) dst(%arg5 : memref<81x2x128xi32, #tpu.memory_space<vmem>>)
      tpu.yield
    }) : () -> ()
    %scan3A = arith.constant 0 : i32
    %scan3A_3 = arith.constant 640 : i32
    %scan3A_4 = arith.addi %scan3A, %scan3A_3 : i32
    %scan3A_5 = arith.constant 1 : i32
    scf.for %scan3A_16 = %scan3A to %scan3A_4 step %scan3A_5  : i32 {
      %mul3A_17 = arith.constant 16 : i32
      %mul3A_18 = arith.muli %scan3A_16, %mul3A_17 : i32
      %add3A_19 = arith.constant 0 : i32
      %add3A_20 = arith.addi %add3A_19, %mul3A_18 : i32
      %broadcast_in_dim3A_21 = arith.constant 0.000000e+00 : f32
      %broadcast_in_dim3A_22 = vector.broadcast %broadcast_in_dim3A_21 : f32 to vector<16xf32>
      %swap3A = arith.index_cast %add3A_20 : i32 to index
      %swap3A_23 = tpu.vector_load %arg4[%swap3A] {strides = array<i32>} : memref<10240xf32, #tpu.memory_space<vmem>>, vector<16xf32>,
      tpu.vector_store %arg4[%swap3A], %broadcast_in_dim3A_22 {strides = array<i32>} : memref<10240xf32, #tpu.memory_space<vmem>>, vector<16xf32>,
    }
    %scan3A_6 = arith.constant 640 : i32
    %broadcast_in_dim3A = arith.constant 1.000000e+00 : f32
    %broadcast_in_dim3A_7 = vector.broadcast %broadcast_in_dim3A : f32 to vector<16xf32>
    %scan3A_8 = arith.constant 0 : i32
    %scan3A_9 = arith.constant 81 : i32
    %scan3A_10 = arith.addi %scan3A_8, %scan3A_9 : i32
    %scan3A_11 = arith.constant 1 : i32
    scf.for %scan3A_16 = %scan3A_8 to %scan3A_10 step %scan3A_11  : i32 {
      %mul3A_17 = arith.constant 1 : i32
      %mul3A_18 = arith.muli %scan3A_16, %mul3A_17 : i32
      %add3A_19 = arith.constant 0 : i32
      %add3A_20 = arith.addi %add3A_19, %mul3A_18 : i32
      %scan3A_21 = arith.constant 0 : i32
      %scan3A_22 = arith.constant 8 : i32
      %scan3A_23 = arith.addi %scan3A_21, %scan3A_22 : i32
      %scan3A_24 = arith.constant 1 : i32
      scf.for %scan3A_26 = %scan3A_21 to %scan3A_23 step %scan3A_24  : i32 {
        %mul3A_27 = arith.constant 16 : i32
        %mul3A_28 = arith.muli %scan3A_26, %mul3A_27 : i32
        %add3A_29 = arith.constant 0 : i32
        %add3A_30 = arith.addi %add3A_29, %mul3A_28 : i32
        %get3A = arith.constant 0 : i32
        %get3A_31 = arith.index_cast %add3A_20 : i32 to index
        %get3A_32 = arith.index_cast %get3A : i32 to index
        %get3A_33 = arith.index_cast %add3A_30 : i32 to index
        %get3A_34 = tpu.vector_load %arg5[%get3A_31, %get3A_32, %get3A_33] {strides = array<i32>} : memref<81x2x128xi32, #tpu.memory_space<vmem>>, vector<16xi32>,
        tpu.vector_store_idx %arg4[%get3A_34], %broadcast_in_dim3A_7 {add = true} : memref<10240xf32, #tpu.memory_space<vmem>>[vector<16xi32>], vector<16xf32>,
      }
      %scan3A_25 = arith.constant 8 : i32
    }
    %scan3A_12 = arith.constant 81 : i32
    %mul3A_13 = arith.constant 16 : i32
    %mul3A_14 = arith.muli %arg0, %mul3A_13 : i32
    %add3A_15 = arith.addi %mul3A_14, %arg1 : i32
    "tpu.region"() ({
      %run_scoped3A = tpu.sem_alloc : memref<!tpu.dma_semaphore, #tpu.memory_space<semaphore_mem>>
      %dma_start3A = arith.constant 0 : i32
      %dma_start3A_16 = tpu.memref_slice %arg3[%add3A_15, %dma_start3A] : memref<32x10240xf32, #tpu.memory_space<hbm>> -> memref<1x10240xf32, #tpu.memory_space<hbm>>
      %dma_start3A_17 = tpu.memref_squeeze %dma_start3A_16 : memref<1x10240xf32, #tpu.memory_space<hbm>> -> memref<10240xf32, #tpu.memory_space<hbm>>
      %dma_start3A_18 = arith.constant 0 : i32
      %dma_start3A_19 = tpu.memref_slice %arg3[%add3A_15, %dma_start3A_18] : memref<32x10240xf32, #tpu.memory_space<hbm>> -> memref<1x10240xf32, #tpu.memory_space<hbm>>
      %dma_start3A_20 = tpu.memref_squeeze %dma_start3A_19 : memref<1x10240xf32, #tpu.memory_space<hbm>> -> memref<10240xf32, #tpu.memory_space<hbm>>
      tpu.enqueue_dma source(%arg4 : memref<10240xf32, #tpu.memory_space<vmem>>) target(%dma_start3A_20 : memref<10240xf32, #tpu.memory_space<hbm>>) target_semaphore(%run_scoped3A : memref<!tpu.dma_semaphore, #tpu.memory_space<semaphore_mem>>)
      %dma_wait3A = arith.constant 0 : i32
      %dma_wait3A_21 = tpu.memref_slice %arg3[%add3A_15, %dma_wait3A] : memref<32x10240xf32, #tpu.memory_space<hbm>> -> memref<1x10240xf32, #tpu.memory_space<hbm>>
      %dma_wait3A_22 = tpu.memref_squeeze %dma_wait3A_21 : memref<1x10240xf32, #tpu.memory_space<hbm>> -> memref<10240xf32, #tpu.memory_space<hbm>>
      %dma_wait3A_23 = arith.constant 0 : i32
      %dma_wait3A_24 = tpu.memref_slice %arg3[%add3A_15, %dma_wait3A_23] : memref<32x10240xf32, #tpu.memory_space<hbm>> -> memref<1x10240xf32, #tpu.memory_space<hbm>>
      %dma_wait3A_25 = tpu.memref_squeeze %dma_wait3A_24 : memref<1x10240xf32, #tpu.memory_space<hbm>> -> memref<10240xf32, #tpu.memory_space<hbm>>
      tpu.wait_dma2 semaphore(%run_scoped3A : memref<!tpu.dma_semaphore, #tpu.memory_space<semaphore_mem>>) src(%arg4 : memref<10240xf32, #tpu.memory_space<vmem>>) dst(%dma_wait3A_25 : memref<10240xf32, #tpu.memory_space<hbm>>)
      tpu.yield
    }) : () -> ()
    return
  }
}

</mosaic_0001>

<sc_bundles>
// kernel: _sc_degrees.3.cloned.1.call-start
scs
__scs_entry_jumppad:
0x0: {  	(pc) =	sbr.rel $0x88, $3  }
0x1: {  	(tag) =	ssettag $0x0;
	lr =	simm.s32 $0x1  }
0x2: {  	[smem:$0x3FA0] =	sst lr;
	_ =	strace $0xD0000000  }
0x3: {  	_ = 	snop  }
0x4: {  	_ = 	snop  }
0x5: {  	_ = 	snop  }
0x6: {  	_ = 	snop  }
0x7: {  	_ = 	snop  }
__scs_overlays_trampoline_lowered:
0x8: {  	[smem:$0x3FAF] =	sst s0  }
0x9: {  	[smem:$0x3FB0] =	sst s1  }
0xa: {  	[smem:$0x3FB1] =	sst s2  }
0xb: {  	[smem:$0x3FB2] =	sst s3  }
0xc: {  	[smem:$0x3FB3] =	sst s4  }
0xd: {  	[smem:$0x3FB4] =	sst s5  }
0xe: {  	[smem:$0x3FB5] =	sst s6  }
0xf: {  	[smem:$0x3FB6] =	sst s7  }
0x10: {  	[smem:$0x3FB7] =	sst s8  }
0x11: {  	[smem:$0x3FB8] =	sst s9;
	s0 =	simm.s32 @!p0 $0x0  }
0x12: {  	s1 =	sld [smem:$0x3F9E];
	s0 =	simm.s32 @p0 $0x1  }
0x13: {  	[smem:$0x3FB9] =	sst s0;
	s0 =	simm.s32 @!p1 $0x0  }
0x14: {  	s2 =	sld [smem:$0x3F9D];
	s0 =	simm.s32 @p1 $0x1  }
0x15: {  	[smem:$0x3FBA] =	sst s0;
	s0 =	simm.s32 @!p2 $0x0  }
0x16: {  	s3 =	sld [smem:$0x3FDB];
	s0 =	simm.s32 @p2 $0x1  }
0x17: {  	s4 =	simm.s32 $0x1BF5;
	[smem:$0x3FBC] =	sst s0  }
0x18: {  	s0 =	sld [smem:$0x3F9F];
	_ =	swait.ge [sflag:s4], $0x0  }
0x19: {  	s7 =	sld [smem:$0x3FA0]  }
0x1a: {  	s8 =	sadd.s32 $0xFFFFE003, lr  }
0x1b: {  	s9 =	sadd.s32 $0xFFFFFEF7, lr;
	s5 =	simm.s32 $0xFFFFFFFF;
	p2 =	slt.u32 s8, $0xFFFFF086  }
0x1c: {  	p1 =	slt.u32 s9, $0xF7A;
	s5 =	simm.s32 @!p2 $0x0  }
0x1d: {  	s5 =	simm.s32 @p1 $0x1;
	p0 =	seq.s32 s7, s2  }
0x1e: {  	s7 =	smul.u32 @!p0 $0xF7A, s2;
	p2 =	seq.s32 @!p0 s5, $0x0  }
0x1f: {  	s9 =	smul.u32 $0xF7A, s1;
	s8 =	simm.s32 @!p0 $0x1BF5;
	p2 =	por !p2, p0  }
0x20: {  	[sflag:s8] =	ssyncset.s32 @!p0 $0xFFFFF086;
	s6 =	sadd.s32 @!p0 s3, s7;
	s7 =	simm.s32 @!p0 $0x108  }
0x21: {  	s3 =	sadd.s32 s3, s9;
	s6 =	sadd.s32 @!p0 $0x88, s6;
	s7 =	simm.s32 @p2 $0x1082  }
0x22: {  	[simem:s7], [sflag:s8] =	dma.local @!p0 [hbm:s6], $0xF7A  }
0x23: {  	s9 =	sor.u32 $0xD0000000, s2;
	s6 =	simm.s32 $0x108;
	_ =	swait.ge @!p0 [sflag:s8], $0x0  }
0x24: {  	s3 =	sadd.s32 $0x88, s3;
	s6 =	simm.s32 @!p1 $0x1082;
	[sflag:s4] =	ssyncset.s32 $0xFFFFF086  }
0x25: {  	[simem:s6], [sflag:s4] =	dma.local [hbm:s3], $0xF7A  }
0x26: {  	[smem:$0x3FA0] =	sst s1;
	(tag) =	ssettag s2;
	_ =	strace s9  }
0x27: {  	s1 =	sld [smem:$0x3FB0]  }
0x28: {  	s2 =	sld [smem:$0x3FB1]  }
0x29: {  	s4 =	sld [smem:$0x3FB3]  }
0x2a: {  	p0 =	seq.s32 s5, $0x0;
	s5 =	sld [smem:$0x3FB4]  }
0x2b: {  	s6 =	sld [smem:$0x3FB5]  }
0x2c: {  	s7 =	sld [smem:$0x3FB6]  }
0x2d: {  	s3 =	simm.s32 $0x108;
	s8 =	sld [smem:$0x3FB7]  }
0x2e: {  	s3 =	simm.s32 @!p0 $0x1082;
	s9 =	sld [smem:$0x3FB8]  }
0x2f: {  	lr =	sadd.s32 s0, s3;
	s0 =	sld [smem:$0x3FAF]  }
0x30: {  	s3 =	sld [smem:$0x3FB2]  }
0x31: {  	[smem:$0x3FBB] =	sst s10  }
0x32: {  	s10 =	sld [smem:$0x3FB9];
	_ =	sdelay $0x3  }
0x33: {  	p0 =	seq.s32 s10, $0x1;
	s10 =	sld [smem:$0x3FBB];
	_ =	sdelay $0x3  }
0x34: {  	[smem:$0x3FBB] =	sst s10  }
0x35: {  	s10 =	sld [smem:$0x3FBA];
	_ =	sdelay $0x3  }
0x36: {  	p1 =	seq.s32 s10, $0x1;
	s10 =	sld [smem:$0x3FBB];
	_ =	sdelay $0x3  }
0x37: {  	[smem:$0x3FBB] =	sst s10  }
0x38: {  	s10 =	sld [smem:$0x3FBC]  }
0x39: {  	_ = 	snop;
	(pc) =	sbr.ind lr, $3  }
0x3a: {  	_ = 	snop  }
0x3b: {  	_ = 	snop  }
0x3c: {  	p2 =	seq.s32 s10, $0x1;
	s10 =	sld [smem:$0x3FBB]  }
0x3d: {  	_ =	shalt  }
0x3e: {  	_ =	shalt  }
0x3f: {  	_ =	shalt  }
0x40: {  	_ =	shalt  }
0x41: {  	_ =	shalt  }
0x42: {  	_ =	shalt  }
0x43: {  	_ =	shalt  }
0x44: {  	_ =	shalt  }
0x45: {  	_ =	shalt  }
0x46: {  	_ =	shalt  }
0x47: {  	_ =	shalt  }
0x48: {  	_ =	shalt  }
0x49: {  	_ =	shalt  }
0x4a: {  	_ =	shalt  }
0x4b: {  	_ =	shalt  }
0x4c: {  	_ =	shalt  }
0x4d: {  	_ =	shalt  }
0x4e: {  	_ =	shalt  }
0x4f: {  	_ =	shalt  }
0x50: {  	_ =	shalt  }
0x51: {  	_ =	shalt  }
0x52: {  	_ =	shalt  }
0x53: {  	_ =	shalt  }
0x54: {  	_ =	shalt  }
0x55: {  	_ =	shalt  }
0x56: {  	_ =	shalt  }
0x57: {  	_ =	shalt  }
0x58: {  	_ =	shalt  }
0x59: {  	_ =	shalt  }
0x5a: {  	_ =	shalt  }
0x5b: {  	_ =	shalt  }
0x5c: {  	_ =	shalt  }
0x5d: {  	_ =	shalt  }
0x5e: {  	_ =	shalt  }
0x5f: {  	_ =	shalt  }
0x60: {  	_ =	shalt  }
0x61: {  	_ =	shalt  }
0x62: {  	_ =	shalt  }
0x63: {  	_ =	shalt  }
0x64: {  	_ =	shalt  }
0x65: {  	_ =	shalt  }
0x66: {  	_ =	shalt  }
0x67: {  	_ =	shalt  }
0x68: {  	_ =	shalt  }
0x69: {  	_ =	shalt  }
0x6a: {  	_ =	shalt  }
0x6b: {  	_ =	shalt  }
0x6c: {  	_ =	shalt  }
0x6d: {  	_ =	shalt  }
0x6e: {  	_ =	shalt  }
0x6f: {  	_ =	shalt  }
0x70: {  	_ =	shalt  }
0x71: {  	_ =	shalt  }
0x72: {  	_ =	shalt  }
0x73: {  	_ =	shalt  }
0x74: {  	_ =	shalt  }
0x75: {  	_ =	shalt  }
0x76: {  	_ =	shalt  }
0x77: {  	_ =	shalt  }
0x78: {  	_ =	shalt  }
0x79: {  	_ =	shalt  }
0x7a: {  	_ =	shalt  }
0x7b: {  	_ =	shalt  }
0x7c: {  	_ =	shalt  }
0x7d: {  	_ =	shalt  }
0x7e: {  	_ =	shalt  }
0x7f: {  	_ =	shalt  }
0x80: {  	_ =	shalt  }
0x81: {  	_ =	shalt  }
0x82: {  	_ =	shalt  }
0x83: {  	_ =	shalt  }
0x84: {  	_ =	shalt  }
0x85: {  	_ =	shalt  }
0x86: {  	_ =	shalt  }
0x87: {  	_ =	shalt  }
.Lfunc_end0:
.L_simem_size_0:
called_computation_lowered:
.L_overlay_start_0:
0x88: {  	s2 =	sld [smem:$0x3FD9]  }
0x89: {  	s3 =	sld [smem:$0x3FFE];
	_ =	sdelay $0x1  }
0x8a: {  	s1 =	srdreg.scid  }
0x8b: {  	s0 =	sand.u32 $0x1, s1  }
0x8c: {  	s18 =	sshll.u32 s0, $0xA;
	s2 =	sadd.s32 s3, s2  }
0x8d: {  	s2 =	sadd.s32 s2, s18  }
0x8e: {  	[smem:$0x3FC7] =	sst s2  }
0x8f: {  	_ = 	snop  }
0x90: {  	s2 =	sld [smem:$0x3FC9]  }
0x91: {  	s19 =	sld [smem:$0x3FD0];
	(tm) =	ssettm $0x1  }
0x92: {  	s4 =	sld [smem:$0x3FFB];
	_ =	sdelay $0x3  }
0x93: {  	_ =	strace s4  }
0x94: {  	s4 =	sld [smem:$0x3FFC];
	_ =	sdelay $0x3  }
0x95: {  	_ =	strace s4  }
0x96: {  	s4 =	sld [smem:$0x3FFD];
	_ =	sdelay $0x3  }
0x97: {  	_ =	strace s4  }
0x98: {  	_ =	strace $0x8FFFFFFF  }
0x99: {  	s20 =	sld [smem:$0x3FDB];
	_ =	sdelay $0x1  }
0x9a: {  	s5 =	simm.s32 $_scs_section_size  }
0x9b: {  	s6 =	simm.s32 $_size__tile_overlayer_lowered;
	s7 =	simm.s32 $_tile_overlayer_lowered  }
0x9c: {  	s23 =	simm.s32 $0x1BFF;
	s22 =	sshll.u32 s7, $0x1;
	s4 =	sadd.s32 s5, s20  }
0x9d: {  	s8 =	simm.s32 $0x0;
	s21 =	sshll.u32 s6, $0x1;
	s6 =	sadd.s32 s22, s4  }
0x9e: {  	[timem:s8], [sflag:s23] =	dma.local [hbm:s6], s21  }
0x9f: {  	_ =	swait.ge [sflag:s23], s21  }
0xa0: {  	s5 =	ssub.s32 $0x0, s21;
	[sflag:s23] =	ssyncset.done $0x0  }
0xa1: {  	[sflag:s23] =	ssyncadd.s32 s5;
	_ =	sdelay $0x1  }
0xa2: {  	s24 =	simm.s32 $0x1B8B  }
0xa3: {  	_ =	swait.ge [sflag:s24], $0x1  }
0xa4: {  	[sflag:s24] =	ssyncset.done $0x0  }
0xa5: {  	s25 =	simm.s32 $0x1B8E;
	[sflag:s24] =	ssyncadd.s32 $0xFFFFFFFF  }
0xa6: {  	s26 =	simm.s32 $execute0_lowered;
	[smem:$0x3FD2] =	sst s25  }
0xa7: {  	s5 =	sshll.u32 s26, $0x1;
	_ =	strace $0x80000046;
	[dreg:$0x1] =	wrdreg $0xFFFFFFFF  }
0xa8: {  	s28 =	simm.s32 $_size_execute0_lowered;
	s4 =	sadd.s32 s4, s5;
	[dreg:$0x0] =	wrdreg $0x0  }
0xa9: {  	s5 =	sshll.u32 s28, $0x1;
	[dreg:$0x2] =	wrdreg s4  }
0xaa: {  	[dreg:$0x3] =	wrdreg s5  }
0xab: {  	[dreg:$0x4] =	wrdreg $0xC0  }
0xac: {  	_ =	task [dreg:s8], $0x5FFFF  }
0xad: {  	[dreg:$0x1] =	wrdreg $0xFFFFFFFF  }
0xae: {  	[dreg:$0x0] =	wrdreg $0x60  }
0xaf: {  	[dreg:$0x2] =	wrdreg s2  }
0xb0: {  	[dreg:$0x3] =	wrdreg s19  }
0xb1: {  	[dreg:$0x4] =	wrdreg $0x9  }
0xb2: {  	_ =	task.clear_ibuf [dreg:s8], $0x5FFFF;
	_ =	strace $0x90000046  }
0xb3: {  	s29 =	simm.s32 $0x9;
	_ =	strace $0x80000048  }
0xb4: {  	_ =	swait.ge [sflag:s29], $0x1  }
0xb5: {  	[sflag:s29] =	ssyncadd.s32 $0xFFFFFFFF  }
0xb6: {  	_ =	strace $0x90000048  }
0xb7: {  	_ =	sfence  }
0xb8: {  	s30 =	sld [smem:$0x0];
	_ =	sdelay $0x2  }
0xb9: {  	s31 =	sshll.u32 s1, $0xD;
	s1 =	sshrl.u32 s1, $0x2  }
0xba: {  	s3 =	sand.u32 $0x4000, s31;
	s1 =	sadd.s32 s1, s30  }
0xbb: {  	s0 =	sor.u32 s3, s0;
	s1 =	sshll.u32 s1, $0x11  }
0xbc: {  	s0 =	sor.u32 s1, s0  }
0xbd: {  	s0 =	sadd.s32 $0x8F2B, s0  }
0xbe: {  	[sflag:s0] =	ssyncadd.remote.s32 $0x1  }
0xbf: {  	_ =	sfence.sel $0xFFFF  }
0xc0: {  	[dreg:$0x0] =	wrdreg $0xFFFFFFFF;
	(pc) =	sbr.abs _section_cstart, $3  }
0xc1: {  	[dreg:$0x1] =	wrdreg $0xFFFFFFFF  }
0xc2: {  	_ =	task.clear_ibuf [dreg:s8], $0x2FFFF;
	_ =	strace $0x9FFFFFFF  }
0xc3: {  	(tm) =	ssettm $0x7FFFFFFF  }
tec
execute0_lowered:
.L_overlay_start_1:
0x0: {  	(tag) =	ssettag $0x1  }
0x1: {  	s0 =	srdreg.scid  }
0x2: {  	s3 =	sand.u32 $0x1, s0  }
0x3: {  	s4 =	rddreg [dreg:$0x0];
	s0 =	stileid.u32;
	s1 =	sshll.u32 s3, $0x4  }
0x4: {  	s5 =	rddreg [dreg:$0x1];
	s2 =	simm.s32 $0x0;
	s6 =	sor.u32 s0, s1  }
0x5: {  	s9 =	simm.s32 $0x400;
	s10 =	simm.s32 $0x0;
	s7 =	sshrl.u32 s6, $0x3  }
0x6: {  	[smem:$0x7FF] =	sst s2;
	s8 =	sshll.u32 s0, $0x7;
	s7 =	smul.u32 $0x14000, s7  }
0x7: {  	s3 =	ssub.s32 $0x2, s3;
	s1 =	rddreg [dreg:$0x2];
	s8 =	sand.u32 $0x380, s8  }
0x8: {  	s31 =	sshrl.u32 s3, $0x1;
	s6 =	smul.u32 $0xA20, s6;
	s7 =	sor.u32 s8, s7  }
0x9: {  	_ =	strace $0x80000047;
	s8 =	ssub.s32 s3, s31;
	s7 =	sshrl.u32 s7, $0x3  }
0xa: {  	s3 =	sadd.s32 s4, s6;
	s6 =	simm.s32 $0x2800;
	s4 =	sadd.s32 s5, s7  }
0xb: {  	v0 =	vimm.f32 $0.0e+00;
	v1 =	vimm.f32 $1.000000000e+00;
	s5 =	smax.u32 s8, $0x1;
	s7 =	simm.s32 $0x1;
	s8 =	simm.s32 $0x80  }
.LBB2_1:
0xc: {  	[tilespmem:s6], [sflag:$0x1] =	stream.linear.gather [hbm4b:s3+s2], $0x5100, $0x38;
	[tilespmem:$0x7900] =	vst v63  }
0xd: {  	_ =	swait.ge [sflag:s7], $0x5100  }
0xe: {  	[sflag:s7] =	ssyncset.done $0x0  }
0xf: {  	s11 =	simm.s32 $0x0;
	[sflag:s7] =	ssyncadd.s32 $0xFFFFAF00  }
.LBB2_2:
0x10: {  	p0 =	sne.s32 s11, $0x9FC0  }
.Ltmp0:
0x11: {  	_ = 	snop;
	(pc) =	sbr.rel @p0 .LBB2_2-.Ltmp0, $3  }
0x12: {  	_ =	sdelay $0x1  }
0x13: {  	s12 =	sshra.s32 s11, $0x2  }
0x14: {  	s11 =	sadd.s32 $0x40, s11;
	[tilespmem:s12+$0x0] =	vst v0  }
0x15: {  	s11 =	simm.s32 $0x1C0  }
.LBB2_4:
0x16: {  	s12 =	sshra.s32 s11, $0x2  }
0x17: {  	v2 =	vld [tilespmem:s12+$0x2790];
	_ =	sdelay $0x7  }
0x18: {  	[tilespmem:v2+s2+$0x0] =	vst.idx.add.f32.msk $0xffff, v1  }
0x19: {  	v2 =	vld [tilespmem:s12+$0x27A0];
	_ =	sdelay $0x7  }
0x1a: {  	[tilespmem:v2+s2+$0x0] =	vst.idx.add.f32.msk $0xffff, v1  }
0x1b: {  	v2 =	vld [tilespmem:s12+$0x27B0];
	_ =	sdelay $0x7  }
0x1c: {  	[tilespmem:v2+s2+$0x0] =	vst.idx.add.f32.msk $0xffff, v1  }
0x1d: {  	v2 =	vld [tilespmem:s12+$0x27C0];
	_ =	sdelay $0x7  }
0x1e: {  	[tilespmem:v2+s2+$0x0] =	vst.idx.add.f32.msk $0xffff, v1  }
0x1f: {  	v2 =	vld [tilespmem:s12+$0x27D0];
	_ =	sdelay $0x7  }
0x20: {  	[tilespmem:v2+s2+$0x0] =	vst.idx.add.f32.msk $0xffff, v1  }
0x21: {  	v2 =	vld [tilespmem:s12+$0x27E0];
	_ =	sdelay $0x7  }
0x22: {  	[tilespmem:v2+s2+$0x0] =	vst.idx.add.f32.msk $0xffff, v1  }
0x23: {  	v2 =	vld [tilespmem:s12+$0x27F0];
	_ =	sdelay $0x7  }
0x24: {  	[tilespmem:v2+s2+$0x0] =	vst.idx.add.f32.msk $0xffff, v1  }
0x25: {  	v2 =	vld [tilespmem:s12+$0x2800];
	_ =	sdelay $0x2  }
0x26: {  	p0 =	sne.s32 s11, $0x141C0  }
.Ltmp1:
0x27: {  	_ = 	snop;
	(pc) =	sbr.rel @p0 .LBB2_4-.Ltmp1, $2  }
0x28: {  	_ =	sdelay $0x2  }
0x29: {  	s11 =	sadd.s32 $0x400, s11;
	[tilespmem:v2+s2+$0x0] =	vst.idx.add.f32.msk $0xffff, v1  }
0x2a: {  	s10 =	sadd.s32 $0x1, s10  }
0x2b: {  	p0 =	sne.s32 s10, s5  }
.Ltmp2:
0x2c: {  	_ = 	snop;
	(pc) =	sbr.rel @p0 .LBB2_1-.Ltmp2, $4  }
0x2d: {  	[hbm4b:s4+s8] =	stream.strided.scatter [tilespmem:s2], [sflag:$0x1], $0x2800, s9, s8, $0x38;
	[tilespmem:$0x7900] =	vst v63  }
0x2e: {  	_ =	swait.ge [sflag:s7], $0x2800  }
0x2f: {  	[sflag:s7] =	ssyncset.done $0x0  }
0x30: {  	[sflag:s7] =	ssyncadd.s32 $0xFFFFD800  }
0x31: {  	_ =	sfence.sel $0x180000  }
0x32: {  	[bflag:$0x0] =	sbarrier.arrive $0xFFFF  }
0x33: {  	p0 =	sne.s32 s0, $0x0;
	_ =	strace $0x90000047  }
0x34: {  	s0 =	sadd.s32 @!p0 $0x100000, s1;
	[bflag:$0x2] =	sbarrier.arrive $0xFFFF  }
0x35: {  	[sflag:s0] =	ssyncadd.tile.s32 @!p0 $0x1;
	_ =	shalt  }
.Lfunc_end2:
_tile_overlayer_lowered:
.L_overlay_start_2:
0x36: {  	(tag) =	ssettag $0x2  }
0x37: {  	s0 =	rddreg [dreg:$0x0];
	s2 =	stileid.u32  }
0x38: {  	s1 =	rddreg [dreg:$0x1];
	p0 =	sne.s32 s2, $0x0  }
0x39: {  	s3 =	rddreg [dreg:$0x2];
	[bflag:$0x3] =	sbarrier.arrive $0xFFFF;
	s2 =	simm.s32 @!p0 $0x1C01  }
0x3a: {  	[timem:s3], [sflag:s2] =	dma.local @!p0 [hbm:s0], s1  }
0x3b: {  	s0 =	simm.s32 @!p0 $0x1  }
0x3c: {  	_ =	swait.ge @!p0 [sflag:s0], s1  }
0x3d: {  	s1 =	ssub.s32 @!p0 $0x0, s1;
	[sflag:s0] =	ssyncset.done @!p0 $0x0  }
0x3e: {  	[sflag:s0] =	ssyncadd.s32 @!p0 s1  }
0x3f: {  	[bflag:$0x3] =	sbarrier.arrive $0xFFFF  }
0x40: {  	_ =	shalt  }

</sc_bundles>
